<compile_context>
chip_gen: v7x
topology: tpu7x:2x2x1
jax: 0.10.2.dev20260603
libtpu: 0.0.44.dev20260713+nightly
codegen_flags: <defaults>
</compile_context>

<pallas_src>
import functools

import jax
import jax.numpy as jnp
from jax import lax
from jax.experimental import pallas as pl
from jax.experimental.pallas import tpu as pltpu
from jax.experimental.pallas import tpu_sc as plsc

_SEQ = 1024
_DIM = 64
_ROWS = _SEQ * _SEQ
_NW = 32
_CHUNK = 128
_PER_W = _ROWS // _NW
_NCH = _PER_W // _CHUNK


def _sc_kernel(table_hbm, x_hbm, out_hbm, idx_v, xrows_v, trows_v, sem):
    wid = lax.axis_index("s") * 2 + lax.axis_index("c")
    base = wid * _PER_W

    def chunk_body(c, _):
        row0 = base + c * _CHUNK
        for v in range(_CHUNK // 16):
            b0 = jnp.full((16,), row0 + v * 16, jnp.int32)
            m = b0 + lax.iota(jnp.int32, 16)
            idx_v[pl.ds(v * 16, 16)] = (
                jnp.full((16,), _SEQ - 1, jnp.int32)
                + (m >> 10)
                - (m & (_SEQ - 1))
            )
        pltpu.sync_copy(x_hbm.at[pl.ds(row0 * _DIM, _CHUNK * _DIM)], xrows_v)
        pltpu.async_copy(table_hbm.at[idx_v], trows_v, sem).wait()

        def add_row(r, _):
            for l in range(_DIM // 16):
                sl = pl.ds(r * _DIM + l * 16, 16)
                xrows_v[sl] = xrows_v[sl] + trows_v[r, pl.ds(l * 16, 16)]
            return ()

        lax.fori_loop(0, _CHUNK, add_row, ())
        pltpu.sync_copy(xrows_v, out_hbm.at[pl.ds(row0 * _DIM, _CHUNK * _DIM)])
        return ()

    lax.fori_loop(0, _NCH, chunk_body, ())


def kernel(x, relative_embedding):
    x1 = x.reshape(_ROWS * _DIM)
    run = functools.partial(
        pl.kernel,
        mesh=plsc.VectorSubcoreMesh(core_axis_name="c", subcore_axis_name="s"),
        out_type=jax.ShapeDtypeStruct((_ROWS * _DIM,), jnp.float32),
        scratch_types=[
            pltpu.VMEM((_CHUNK,), jnp.int32),
            pltpu.VMEM((_CHUNK * _DIM,), jnp.float32),
            pltpu.VMEM((_CHUNK, 2 * _DIM), jnp.float32),
            pltpu.SemaphoreType.DMA,
        ],
    )(_sc_kernel)
    table2 = jnp.pad(relative_embedding, ((0, 0), (0, _DIM)))
    out = run(table2, x1)
    return out.reshape(x.shape)

# --- scband reference (transcript-rebuilt; emitter-appended) ---
"""Pipeline reference for scband-relative-positional-embedding-8108898255246 (READ-ONLY COPY).

The authoritative reference and input builder live on the scoring server;
editing this copy changes nothing except your own understanding.
"""

import jax, jax.numpy as jnp
import numpy as np

MODEL_MAX_LENGTH = 1024
EMBEDDING_DIM = 64


def setup_inputs(seed: int = 0) -> dict:
    key = jax.random.key(seed)
    k1, k2 = jax.random.split(key)
    x = jax.random.normal(k1, (1, 1024, 1024, EMBEDDING_DIM), dtype=jnp.float32)
    relative_embedding = jax.random.normal(k2, (2 * MODEL_MAX_LENGTH - 1, EMBEDDING_DIM), dtype=jnp.float32) * 0.02
    return {"x": x, "relative_embedding": relative_embedding}


def reference(x, relative_embedding):
    seq_len = x.shape[1]
    range_vec = jnp.arange(seq_len)
    relative_positions = range_vec[:, None] - range_vec[None, :] + (MODEL_MAX_LENGTH - 1)
    relative_encoding = jnp.take(relative_embedding, relative_positions, axis=0)
    return x + relative_encoding

if __name__ == "__main__":
    import jax
    _d = setup_inputs()
    print(jax.jit(kernel)(*tuple(_d.values())))

</pallas_src>

<mosaic_0001>
#map = affine_map<(d0, d1) -> (0, 0)>
#map1 = affine_map<(d0, d1) -> (0)>
module attributes {stable_mosaic.version = 14 : i64} {
  func.func @_sc_kernel(%arg0: i32, %arg1: i32, %arg2: memref<2047x128xf32, #tpu.memory_space<hbm>>, %arg3: memref<67108864xf32, #tpu.memory_space<hbm>>, %arg4: memref<67108864xf32, #tpu.memory_space<hbm>>, %arg5: memref<128xi32, #tpu.memory_space<vmem>>, %arg6: memref<8192xf32, #tpu.memory_space<vmem>>, %arg7: memref<128x128xf32, #tpu.memory_space<vmem>>, %arg8: memref<!tpu.dma_semaphore, #tpu.memory_space<semaphore_mem>>) attributes {dimension_semantics = [#tpu.dimension_semantics<core_parallel>, #tpu.dimension_semantics<subcore_parallel>], iteration_bounds = array<i64: 2, 16>, scalar_prefetch = 0 : i64, scratch_operands = 4 : i64, tpu.core_type = #tpu.core_type<sc_vector_subcore>, window_params = [{transform_indices = #map}, {transform_indices = #map1}, {transform_indices = #map1}]} {
    %mul3A = arith.constant 2 : i32
    %mul3A_0 = arith.muli %arg1, %mul3A : i32
    %add3A = arith.addi %mul3A_0, %arg0 : i32
    %mul3A_1 = arith.constant 32768 : i32
    %mul3A_2 = arith.muli %add3A, %mul3A_1 : i32
    %scan3A = arith.constant 0 : i32
    %scan3A_3 = arith.constant 256 : i32
    %scan3A_4 = arith.addi %scan3A, %scan3A_3 : i32
    %scan3A_5 = arith.constant 1 : i32
    scf.for %scan3A_7 = %scan3A to %scan3A_4 step %scan3A_5  : i32 {
      %mul3A_8 = arith.constant 128 : i32
      %mul3A_9 = arith.muli %scan3A_7, %mul3A_8 : i32
      %add3A_10 = arith.addi %mul3A_2, %mul3A_9 : i32
      %add3A_11 = arith.constant 0 : i32
      %add3A_12 = arith.addi %add3A_10, %add3A_11 : i32
      %broadcast_in_dim3A = vector.broadcast %add3A_12 : i32 to vector<16xi32>
      %iota3A = tpu.iota {dimensions = array<i32: 0>} : vector<16xi32>
      %add3A_13 = arith.addi %broadcast_in_dim3A, %iota3A : vector<16xi32>
      %broadcast_in_dim3A_14 = arith.constant 1023 : i32
      %broadcast_in_dim3A_15 = vector.broadcast %broadcast_in_dim3A_14 : i32 to vector<16xi32>
      %shift_right_arithmetic3A = arith.constant 10 : i32
      %shift_right_arithmetic3A_16 = vector.broadcast %shift_right_arithmetic3A : i32 to vector<16xi32>
      %shift_right_arithmetic3A_17 = arith.shrsi %add3A_13, %shift_right_arithmetic3A_16 : vector<16xi32>
      %add3A_18 = arith.addi %broadcast_in_dim3A_15, %shift_right_arithmetic3A_17 : vector<16xi32>
      %and3A = arith.constant 1023 : i32
      %and3A_19 = vector.broadcast %and3A : i32 to vector<16xi32>
      %and3A_20 = arith.andi %add3A_13, %and3A_19 : vector<16xi32>
      %sub3A = arith.subi %add3A_18, %and3A_20 : vector<16xi32>
      %swap3A = arith.constant 0 : index
      %swap3A_21 = tpu.vector_load %arg5[%swap3A] {strides = array<i32>} : memref<128xi32, #tpu.memory_space<vmem>>, vector<16xi32>,
      %swap3A_22 = vector.shape_cast %swap3A_21 : vector<16xi32> to vector<16xi32>
      %swap3A_23 = vector.shape_cast %sub3A : vector<16xi32> to vector<16xi32>
      tpu.vector_store %arg5[%swap3A], %swap3A_23 {strides = array<i32>} : memref<128xi32, #tpu.memory_space<vmem>>, vector<16xi32>,
      %add3A_24 = arith.constant 16 : i32
      %add3A_25 = arith.addi %add3A_10, %add3A_24 : i32
      %broadcast_in_dim3A_26 = vector.broadcast %add3A_25 : i32 to vector<16xi32>
      %iota3A_27 = tpu.iota {dimensions = array<i32: 0>} : vector<16xi32>
      %add3A_28 = arith.addi %broadcast_in_dim3A_26, %iota3A_27 : vector<16xi32>
      %broadcast_in_dim3A_29 = arith.constant 1023 : i32
      %broadcast_in_dim3A_30 = vector.broadcast %broadcast_in_dim3A_29 : i32 to vector<16xi32>
      %shift_right_arithmetic3A_31 = arith.constant 10 : i32
      %shift_right_arithmetic3A_32 = vector.broadcast %shift_right_arithmetic3A_31 : i32 to vector<16xi32>
      %shift_right_arithmetic3A_33 = arith.shrsi %add3A_28, %shift_right_arithmetic3A_32 : vector<16xi32>
      %add3A_34 = arith.addi %broadcast_in_dim3A_30, %shift_right_arithmetic3A_33 : vector<16xi32>
      %and3A_35 = arith.constant 1023 : i32
      %and3A_36 = vector.broadcast %and3A_35 : i32 to vector<16xi32>
      %and3A_37 = arith.andi %add3A_28, %and3A_36 : vector<16xi32>
      %sub3A_38 = arith.subi %add3A_34, %and3A_37 : vector<16xi32>
      %swap3A_39 = arith.constant 16 : index
      %swap3A_40 = tpu.vector_load %arg5[%swap3A_39] {strides = array<i32>} : memref<128xi32, #tpu.memory_space<vmem>>, vector<16xi32>,
      %swap3A_41 = vector.shape_cast %swap3A_40 : vector<16xi32> to vector<16xi32>
      %swap3A_42 = vector.shape_cast %sub3A_38 : vector<16xi32> to vector<16xi32>
      tpu.vector_store %arg5[%swap3A_39], %swap3A_42 {strides = array<i32>} : memref<128xi32, #tpu.memory_space<vmem>>, vector<16xi32>,
      %add3A_43 = arith.constant 32 : i32
      %add3A_44 = arith.addi %add3A_10, %add3A_43 : i32
      %broadcast_in_dim3A_45 = vector.broadcast %add3A_44 : i32 to vector<16xi32>
      %iota3A_46 = tpu.iota {dimensions = array<i32: 0>} : vector<16xi32>
      %add3A_47 = arith.addi %broadcast_in_dim3A_45, %iota3A_46 : vector<16xi32>
      %broadcast_in_dim3A_48 = arith.constant 1023 : i32
      %broadcast_in_dim3A_49 = vector.broadcast %broadcast_in_dim3A_48 : i32 to vector<16xi32>
      %shift_right_arithmetic3A_50 = arith.constant 10 : i32
      %shift_right_arithmetic3A_51 = vector.broadcast %shift_right_arithmetic3A_50 : i32 to vector<16xi32>
      %shift_right_arithmetic3A_52 = arith.shrsi %add3A_47, %shift_right_arithmetic3A_51 : vector<16xi32>
      %add3A_53 = arith.addi %broadcast_in_dim3A_49, %shift_right_arithmetic3A_52 : vector<16xi32>
      %and3A_54 = arith.constant 1023 : i32
      %and3A_55 = vector.broadcast %and3A_54 : i32 to vector<16xi32>
      %and3A_56 = arith.andi %add3A_47, %and3A_55 : vector<16xi32>
      %sub3A_57 = arith.subi %add3A_53, %and3A_56 : vector<16xi32>
      %swap3A_58 = arith.constant 32 : index
      %swap3A_59 = tpu.vector_load %arg5[%swap3A_58] {strides = array<i32>} : memref<128xi32, #tpu.memory_space<vmem>>, vector<16xi32>,
      %swap3A_60 = vector.shape_cast %swap3A_59 : vector<16xi32> to vector<16xi32>
      %swap3A_61 = vector.shape_cast %sub3A_57 : vector<16xi32> to vector<16xi32>
      tpu.vector_store %arg5[%swap3A_58], %swap3A_61 {strides = array<i32>} : memref<128xi32, #tpu.memory_space<vmem>>, vector<16xi32>,
      %add3A_62 = arith.constant 48 : i32
      %add3A_63 = arith.addi %add3A_10, %add3A_62 : i32
      %broadcast_in_dim3A_64 = vector.broadcast %add3A_63 : i32 to vector<16xi32>
      %iota3A_65 = tpu.iota {dimensions = array<i32: 0>} : vector<16xi32>
      %add3A_66 = arith.addi %broadcast_in_dim3A_64, %iota3A_65 : vector<16xi32>
      %broadcast_in_dim3A_67 = arith.constant 1023 : i32
      %broadcast_in_dim3A_68 = vector.broadcast %broadcast_in_dim3A_67 : i32 to vector<16xi32>
      %shift_right_arithmetic3A_69 = arith.constant 10 : i32
      %shift_right_arithmetic3A_70 = vector.broadcast %shift_right_arithmetic3A_69 : i32 to vector<16xi32>
      %shift_right_arithmetic3A_71 = arith.shrsi %add3A_66, %shift_right_arithmetic3A_70 : vector<16xi32>
      %add3A_72 = arith.addi %broadcast_in_dim3A_68, %shift_right_arithmetic3A_71 : vector<16xi32>
      %and3A_73 = arith.constant 1023 : i32
      %and3A_74 = vector.broadcast %and3A_73 : i32 to vector<16xi32>
      %and3A_75 = arith.andi %add3A_66, %and3A_74 : vector<16xi32>
      %sub3A_76 = arith.subi %add3A_72, %and3A_75 : vector<16xi32>
      %swap3A_77 = arith.constant 48 : index
      %swap3A_78 = tpu.vector_load %arg5[%swap3A_77] {strides = array<i32>} : memref<128xi32, #tpu.memory_space<vmem>>, vector<16xi32>,
      %swap3A_79 = vector.shape_cast %swap3A_78 : vector<16xi32> to vector<16xi32>
      %swap3A_80 = vector.shape_cast %sub3A_76 : vector<16xi32> to vector<16xi32>
      tpu.vector_store %arg5[%swap3A_77], %swap3A_80 {strides = array<i32>} : memref<128xi32, #tpu.memory_space<vmem>>, vector<16xi32>,
      %add3A_81 = arith.constant 64 : i32
      %add3A_82 = arith.addi %add3A_10, %add3A_81 : i32
      %broadcast_in_dim3A_83 = vector.broadcast %add3A_82 : i32 to vector<16xi32>
      %iota3A_84 = tpu.iota {dimensions = array<i32: 0>} : vector<16xi32>
      %add3A_85 = arith.addi %broadcast_in_dim3A_83, %iota3A_84 : vector<16xi32>
      %broadcast_in_dim3A_86 = arith.constant 1023 : i32
      %broadcast_in_dim3A_87 = vector.broadcast %broadcast_in_dim3A_86 : i32 to vector<16xi32>
      %shift_right_arithmetic3A_88 = arith.constant 10 : i32
      %shift_right_arithmetic3A_89 = vector.broadcast %shift_right_arithmetic3A_88 : i32 to vector<16xi32>
      %shift_right_arithmetic3A_90 = arith.shrsi %add3A_85, %shift_right_arithmetic3A_89 : vector<16xi32>
      %add3A_91 = arith.addi %broadcast_in_dim3A_87, %shift_right_arithmetic3A_90 : vector<16xi32>
      %and3A_92 = arith.constant 1023 : i32
      %and3A_93 = vector.broadcast %and3A_92 : i32 to vector<16xi32>
      %and3A_94 = arith.andi %add3A_85, %and3A_93 : vector<16xi32>
      %sub3A_95 = arith.subi %add3A_91, %and3A_94 : vector<16xi32>
      %swap3A_96 = arith.constant 64 : index
      %swap3A_97 = tpu.vector_load %arg5[%swap3A_96] {strides = array<i32>} : memref<128xi32, #tpu.memory_space<vmem>>, vector<16xi32>,
      %swap3A_98 = vector.shape_cast %swap3A_97 : vector<16xi32> to vector<16xi32>
      %swap3A_99 = vector.shape_cast %sub3A_95 : vector<16xi32> to vector<16xi32>
      tpu.vector_store %arg5[%swap3A_96], %swap3A_99 {strides = array<i32>} : memref<128xi32, #tpu.memory_space<vmem>>, vector<16xi32>,
      %add3A_100 = arith.constant 80 : i32
      %add3A_101 = arith.addi %add3A_10, %add3A_100 : i32
      %broadcast_in_dim3A_102 = vector.broadcast %add3A_101 : i32 to vector<16xi32>
      %iota3A_103 = tpu.iota {dimensions = array<i32: 0>} : vector<16xi32>
      %add3A_104 = arith.addi %broadcast_in_dim3A_102, %iota3A_103 : vector<16xi32>
      %broadcast_in_dim3A_105 = arith.constant 1023 : i32
      %broadcast_in_dim3A_106 = vector.broadcast %broadcast_in_dim3A_105 : i32 to vector<16xi32>
      %shift_right_arithmetic3A_107 = arith.constant 10 : i32
      %shift_right_arithmetic3A_108 = vector.broadcast %shift_right_arithmetic3A_107 : i32 to vector<16xi32>
      %shift_right_arithmetic3A_109 = arith.shrsi %add3A_104, %shift_right_arithmetic3A_108 : vector<16xi32>
      %add3A_110 = arith.addi %broadcast_in_dim3A_106, %shift_right_arithmetic3A_109 : vector<16xi32>
      %and3A_111 = arith.constant 1023 : i32
      %and3A_112 = vector.broadcast %and3A_111 : i32 to vector<16xi32>
      %and3A_113 = arith.andi %add3A_104, %and3A_112 : vector<16xi32>
      %sub3A_114 = arith.subi %add3A_110, %and3A_113 : vector<16xi32>
      %swap3A_115 = arith.constant 80 : index
      %swap3A_116 = tpu.vector_load %arg5[%swap3A_115] {strides = array<i32>} : memref<128xi32, #tpu.memory_space<vmem>>, vector<16xi32>,
      %swap3A_117 = vector.shape_cast %swap3A_116 : vector<16xi32> to vector<16xi32>
      %swap3A_118 = vector.shape_cast %sub3A_114 : vector<16xi32> to vector<16xi32>
      tpu.vector_store %arg5[%swap3A_115], %swap3A_118 {strides = array<i32>} : memref<128xi32, #tpu.memory_space<vmem>>, vector<16xi32>,
      %add3A_119 = arith.constant 96 : i32
      %add3A_120 = arith.addi %add3A_10, %add3A_119 : i32
      %broadcast_in_dim3A_121 = vector.broadcast %add3A_120 : i32 to vector<16xi32>
      %iota3A_122 = tpu.iota {dimensions = array<i32: 0>} : vector<16xi32>
      %add3A_123 = arith.addi %broadcast_in_dim3A_121, %iota3A_122 : vector<16xi32>
      %broadcast_in_dim3A_124 = arith.constant 1023 : i32
      %broadcast_in_dim3A_125 = vector.broadcast %broadcast_in_dim3A_124 : i32 to vector<16xi32>
      %shift_right_arithmetic3A_126 = arith.constant 10 : i32
      %shift_right_arithmetic3A_127 = vector.broadcast %shift_right_arithmetic3A_126 : i32 to vector<16xi32>
      %shift_right_arithmetic3A_128 = arith.shrsi %add3A_123, %shift_right_arithmetic3A_127 : vector<16xi32>
      %add3A_129 = arith.addi %broadcast_in_dim3A_125, %shift_right_arithmetic3A_128 : vector<16xi32>
      %and3A_130 = arith.constant 1023 : i32
      %and3A_131 = vector.broadcast %and3A_130 : i32 to vector<16xi32>
      %and3A_132 = arith.andi %add3A_123, %and3A_131 : vector<16xi32>
      %sub3A_133 = arith.subi %add3A_129, %and3A_132 : vector<16xi32>
      %swap3A_134 = arith.constant 96 : index
      %swap3A_135 = tpu.vector_load %arg5[%swap3A_134] {strides = array<i32>} : memref<128xi32, #tpu.memory_space<vmem>>, vector<16xi32>,
      %swap3A_136 = vector.shape_cast %swap3A_135 : vector<16xi32> to vector<16xi32>
      %swap3A_137 = vector.shape_cast %sub3A_133 : vector<16xi32> to vector<16xi32>
      tpu.vector_store %arg5[%swap3A_134], %swap3A_137 {strides = array<i32>} : memref<128xi32, #tpu.memory_space<vmem>>, vector<16xi32>,
      %add3A_138 = arith.constant 112 : i32
      %add3A_139 = arith.addi %add3A_10, %add3A_138 : i32
      %broadcast_in_dim3A_140 = vector.broadcast %add3A_139 : i32 to vector<16xi32>
      %iota3A_141 = tpu.iota {dimensions = array<i32: 0>} : vector<16xi32>
      %add3A_142 = arith.addi %broadcast_in_dim3A_140, %iota3A_141 : vector<16xi32>
      %broadcast_in_dim3A_143 = arith.constant 1023 : i32
      %broadcast_in_dim3A_144 = vector.broadcast %broadcast_in_dim3A_143 : i32 to vector<16xi32>
      %shift_right_arithmetic3A_145 = arith.constant 10 : i32
      %shift_right_arithmetic3A_146 = vector.broadcast %shift_right_arithmetic3A_145 : i32 to vector<16xi32>
      %shift_right_arithmetic3A_147 = arith.shrsi %add3A_142, %shift_right_arithmetic3A_146 : vector<16xi32>
      %add3A_148 = arith.addi %broadcast_in_dim3A_144, %shift_right_arithmetic3A_147 : vector<16xi32>
      %and3A_149 = arith.constant 1023 : i32
      %and3A_150 = vector.broadcast %and3A_149 : i32 to vector<16xi32>
      %and3A_151 = arith.andi %add3A_142, %and3A_150 : vector<16xi32>
      %sub3A_152 = arith.subi %add3A_148, %and3A_151 : vector<16xi32>
      %swap3A_153 = arith.constant 112 : index
      %swap3A_154 = tpu.vector_load %arg5[%swap3A_153] {strides = array<i32>} : memref<128xi32, #tpu.memory_space<vmem>>, vector<16xi32>,
      %swap3A_155 = vector.shape_cast %swap3A_154 : vector<16xi32> to vector<16xi32>
      %swap3A_156 = vector.shape_cast %sub3A_152 : vector<16xi32> to vector<16xi32>
      tpu.vector_store %arg5[%swap3A_153], %swap3A_156 {strides = array<i32>} : memref<128xi32, #tpu.memory_space<vmem>>, vector<16xi32>,
      %mul3A_157 = arith.constant 64 : i32
      %mul3A_158 = arith.muli %add3A_10, %mul3A_157 : i32
      "tpu.region"() ({
        %run_scoped3A = tpu.sem_alloc : memref<!tpu.dma_semaphore, #tpu.memory_space<semaphore_mem>>
        %dma_start3A_170 = tpu.memref_slice %arg3[%mul3A_158] : memref<67108864xf32, #tpu.memory_space<hbm>> -> memref<8192xf32, #tpu.memory_space<hbm>>
        %dma_start3A_171 = tpu.memref_slice %arg3[%mul3A_158] : memref<67108864xf32, #tpu.memory_space<hbm>> -> memref<8192xf32, #tpu.memory_space<hbm>>
        tpu.enqueue_dma source(%dma_start3A_171 : memref<8192xf32, #tpu.memory_space<hbm>>) target(%arg6 : memref<8192xf32, #tpu.memory_space<vmem>>) target_semaphore(%run_scoped3A : memref<!tpu.dma_semaphore, #tpu.memory_space<semaphore_mem>>)
        %dma_wait3A_172 = tpu.memref_slice %arg3[%mul3A_158] : memref<67108864xf32, #tpu.memory_space<hbm>> -> memref<8192xf32, #tpu.memory_space<hbm>>
        %dma_wait3A_173 = tpu.memref_slice %arg3[%mul3A_158] : memref<67108864xf32, #tpu.memory_space<hbm>> -> memref<8192xf32, #tpu.memory_space<hbm>>
        tpu.wait_dma2 semaphore(%run_scoped3A : memref<!tpu.dma_semaphore, #tpu.memory_space<semaphore_mem>>) src(%dma_wait3A_173 : memref<8192xf32, #tpu.memory_space<hbm>>) dst(%arg6 : memref<8192xf32, #tpu.memory_space<vmem>>)
        tpu.yield
      }) : () -> ()
      %dma_start3A = arith.constant 0 : i32
      %dma_start3A_159 = arith.constant 0 : i32
      %dma_start3A_160 = tpu.memref_slice %arg2[%dma_start3A, %dma_start3A_159] : memref<2047x128xf32, #tpu.memory_space<hbm>> -> memref<2047x128xf32, #tpu.memory_space<hbm>>
      tpu.enqueue_indirect_dma source(%dma_start3A_160 : memref<2047x128xf32, #tpu.memory_space<hbm>>) target(%arg7 : memref<128x128xf32, #tpu.memory_space<vmem>>) offsets(%arg5 : memref<128xi32, #tpu.memory_space<vmem>>) semaphore(%arg8 : memref<!tpu.dma_semaphore, #tpu.memory_space<semaphore_mem>>)
      %dma_wait3A = arith.constant 0 : i32
      %dma_wait3A_161 = arith.constant 0 : i32
      %dma_wait3A_162 = tpu.memref_slice %arg2[%dma_wait3A, %dma_wait3A_161] : memref<2047x128xf32, #tpu.memory_space<hbm>> -> memref<2047x128xf32, #tpu.memory_space<hbm>>
      tpu.wait_indirect_dma semaphore(%arg8 : memref<!tpu.dma_semaphore, #tpu.memory_space<semaphore_mem>>) src(%dma_wait3A_162 : memref<2047x128xf32, #tpu.memory_space<hbm>>) dst(%arg7 : memref<128x128xf32, #tpu.memory_space<vmem>>)
      %scan3A_163 = arith.constant 0 : i32
      %scan3A_164 = arith.constant 128 : i32
      %scan3A_165 = arith.addi %scan3A_163, %scan3A_164 : i32
      %scan3A_166 = arith.constant 1 : i32
      scf.for %scan3A_170 = %scan3A_163 to %scan3A_165 step %scan3A_166  : i32 {
        %mul3A_171 = arith.constant 64 : i32
        %mul3A_172 = arith.muli %scan3A_170, %mul3A_171 : i32
        %add3A_173 = arith.constant 0 : i32
        %add3A_174 = arith.addi %mul3A_172, %add3A_173 : i32
        %get3A = arith.index_cast %add3A_174 : i32 to index
        %get3A_175 = tpu.vector_load %arg6[%get3A] {strides = array<i32>} : memref<8192xf32, #tpu.memory_space<vmem>>, vector<16xf32>,
        %get3A_176 = vector.shape_cast %get3A_175 : vector<16xf32> to vector<16xf32>
        %get3A_177 = arith.index_cast %scan3A_170 : i32 to index
        %get3A_178 = arith.constant 0 : index
        %get3A_179 = tpu.vector_load %arg7[%get3A_177, %get3A_178] {strides = array<i32>} : memref<128x128xf32, #tpu.memory_space<vmem>>, vector<1x16xf32>,
        %get3A_180 = vector.shape_cast %get3A_179 : vector<1x16xf32> to vector<16xf32>
        %add3A_181 = arith.addf %get3A_176, %get3A_180 : vector<16xf32>
        %swap3A_182 = arith.index_cast %add3A_174 : i32 to index
        %swap3A_183 = tpu.vector_load %arg6[%swap3A_182] {strides = array<i32>} : memref<8192xf32, #tpu.memory_space<vmem>>, vector<16xf32>,
        %swap3A_184 = vector.shape_cast %swap3A_183 : vector<16xf32> to vector<16xf32>
        %swap3A_185 = vector.shape_cast %add3A_181 : vector<16xf32> to vector<16xf32>
        tpu.vector_store %arg6[%swap3A_182], %swap3A_185 {strides = array<i32>} : memref<8192xf32, #tpu.memory_space<vmem>>, vector<16xf32>,
        %mul3A_186 = arith.constant 64 : i32
        %mul3A_187 = arith.muli %scan3A_170, %mul3A_186 : i32
        %add3A_188 = arith.constant 16 : i32
        %add3A_189 = arith.addi %mul3A_187, %add3A_188 : i32
        %get3A_190 = arith.index_cast %add3A_189 : i32 to index
        %get3A_191 = tpu.vector_load %arg6[%get3A_190] {strides = array<i32>} : memref<8192xf32, #tpu.memory_space<vmem>>, vector<16xf32>,
        %get3A_192 = vector.shape_cast %get3A_191 : vector<16xf32> to vector<16xf32>
        %get3A_193 = arith.index_cast %scan3A_170 : i32 to index
        %get3A_194 = arith.constant 16 : index
        %get3A_195 = tpu.vector_load %arg7[%get3A_193, %get3A_194] {strides = array<i32>} : memref<128x128xf32, #tpu.memory_space<vmem>>, vector<1x16xf32>,
        %get3A_196 = vector.shape_cast %get3A_195 : vector<1x16xf32> to vector<16xf32>
        %add3A_197 = arith.addf %get3A_192, %get3A_196 : vector<16xf32>
        %swap3A_198 = arith.index_cast %add3A_189 : i32 to index
        %swap3A_199 = tpu.vector_load %arg6[%swap3A_198] {strides = array<i32>} : memref<8192xf32, #tpu.memory_space<vmem>>, vector<16xf32>,
        %swap3A_200 = vector.shape_cast %swap3A_199 : vector<16xf32> to vector<16xf32>
        %swap3A_201 = vector.shape_cast %add3A_197 : vector<16xf32> to vector<16xf32>
        tpu.vector_store %arg6[%swap3A_198], %swap3A_201 {strides = array<i32>} : memref<8192xf32, #tpu.memory_space<vmem>>, vector<16xf32>,
        %mul3A_202 = arith.constant 64 : i32
        %mul3A_203 = arith.muli %scan3A_170, %mul3A_202 : i32
        %add3A_204 = arith.constant 32 : i32
        %add3A_205 = arith.addi %mul3A_203, %add3A_204 : i32
        %get3A_206 = arith.index_cast %add3A_205 : i32 to index
        %get3A_207 = tpu.vector_load %arg6[%get3A_206] {strides = array<i32>} : memref<8192xf32, #tpu.memory_space<vmem>>, vector<16xf32>,
        %get3A_208 = vector.shape_cast %get3A_207 : vector<16xf32> to vector<16xf32>
        %get3A_209 = arith.index_cast %scan3A_170 : i32 to index
        %get3A_210 = arith.constant 32 : index
        %get3A_211 = tpu.vector_load %arg7[%get3A_209, %get3A_210] {strides = array<i32>} : memref<128x128xf32, #tpu.memory_space<vmem>>, vector<1x16xf32>,
        %get3A_212 = vector.shape_cast %get3A_211 : vector<1x16xf32> to vector<16xf32>
        %add3A_213 = arith.addf %get3A_208, %get3A_212 : vector<16xf32>
        %swap3A_214 = arith.index_cast %add3A_205 : i32 to index
        %swap3A_215 = tpu.vector_load %arg6[%swap3A_214] {strides = array<i32>} : memref<8192xf32, #tpu.memory_space<vmem>>, vector<16xf32>,
        %swap3A_216 = vector.shape_cast %swap3A_215 : vector<16xf32> to vector<16xf32>
        %swap3A_217 = vector.shape_cast %add3A_213 : vector<16xf32> to vector<16xf32>
        tpu.vector_store %arg6[%swap3A_214], %swap3A_217 {strides = array<i32>} : memref<8192xf32, #tpu.memory_space<vmem>>, vector<16xf32>,
        %mul3A_218 = arith.constant 64 : i32
        %mul3A_219 = arith.muli %scan3A_170, %mul3A_218 : i32
        %add3A_220 = arith.constant 48 : i32
        %add3A_221 = arith.addi %mul3A_219, %add3A_220 : i32
        %get3A_222 = arith.index_cast %add3A_221 : i32 to index
        %get3A_223 = tpu.vector_load %arg6[%get3A_222] {strides = array<i32>} : memref<8192xf32, #tpu.memory_space<vmem>>, vector<16xf32>,
        %get3A_224 = vector.shape_cast %get3A_223 : vector<16xf32> to vector<16xf32>
        %get3A_225 = arith.index_cast %scan3A_170 : i32 to index
        %get3A_226 = arith.constant 48 : index
        %get3A_227 = tpu.vector_load %arg7[%get3A_225, %get3A_226] {strides = array<i32>} : memref<128x128xf32, #tpu.memory_space<vmem>>, vector<1x16xf32>,
        %get3A_228 = vector.shape_cast %get3A_227 : vector<1x16xf32> to vector<16xf32>
        %add3A_229 = arith.addf %get3A_224, %get3A_228 : vector<16xf32>
        %swap3A_230 = arith.index_cast %add3A_221 : i32 to index
        %swap3A_231 = tpu.vector_load %arg6[%swap3A_230] {strides = array<i32>} : memref<8192xf32, #tpu.memory_space<vmem>>, vector<16xf32>,
        %swap3A_232 = vector.shape_cast %swap3A_231 : vector<16xf32> to vector<16xf32>
        %swap3A_233 = vector.shape_cast %add3A_229 : vector<16xf32> to vector<16xf32>
        tpu.vector_store %arg6[%swap3A_230], %swap3A_233 {strides = array<i32>} : memref<8192xf32, #tpu.memory_space<vmem>>, vector<16xf32>,
      }
      %scan3A_167 = arith.constant 128 : i32
      %mul3A_168 = arith.constant 64 : i32
      %mul3A_169 = arith.muli %add3A_10, %mul3A_168 : i32
      "tpu.region"() ({
        %run_scoped3A = tpu.sem_alloc : memref<!tpu.dma_semaphore, #tpu.memory_space<semaphore_mem>>
        %dma_start3A_170 = tpu.memref_slice %arg4[%mul3A_169] : memref<67108864xf32, #tpu.memory_space<hbm>> -> memref<8192xf32, #tpu.memory_space<hbm>>
        %dma_start3A_171 = tpu.memref_slice %arg4[%mul3A_169] : memref<67108864xf32, #tpu.memory_space<hbm>> -> memref<8192xf32, #tpu.memory_space<hbm>>
        tpu.enqueue_dma source(%arg6 : memref<8192xf32, #tpu.memory_space<vmem>>) target(%dma_start3A_171 : memref<8192xf32, #tpu.memory_space<hbm>>) target_semaphore(%run_scoped3A : memref<!tpu.dma_semaphore, #tpu.memory_space<semaphore_mem>>)
        %dma_wait3A_172 = tpu.memref_slice %arg4[%mul3A_169] : memref<67108864xf32, #tpu.memory_space<hbm>> -> memref<8192xf32, #tpu.memory_space<hbm>>
        %dma_wait3A_173 = tpu.memref_slice %arg4[%mul3A_169] : memref<67108864xf32, #tpu.memory_space<hbm>> -> memref<8192xf32, #tpu.memory_space<hbm>>
        tpu.wait_dma2 semaphore(%run_scoped3A : memref<!tpu.dma_semaphore, #tpu.memory_space<semaphore_mem>>) src(%arg6 : memref<8192xf32, #tpu.memory_space<vmem>>) dst(%dma_wait3A_173 : memref<8192xf32, #tpu.memory_space<hbm>>)
        tpu.yield
      }) : () -> ()
    }
    %scan3A_6 = arith.constant 256 : i32
    return
  }
}

</mosaic_0001>

<sc_bundles>
// kernel: kernel.3.cloned.1.call-start
scs
__scs_entry_jumppad:
0x0: {  	(pc) =	sbr.rel $0x88, $3  }
0x1: {  	(tag) =	ssettag $0x0;
	lr =	simm.s32 $0x1  }
0x2: {  	[smem:$0x3F9F] =	sst lr;
	_ =	strace $0xD0000000  }
0x3: {  	_ = 	snop  }
0x4: {  	_ = 	snop  }
0x5: {  	_ = 	snop  }
0x6: {  	_ = 	snop  }
0x7: {  	_ = 	snop  }
__scs_overlays_trampoline_lowered:
0x8: {  	[smem:$0x3FAE] =	sst s0  }
0x9: {  	[smem:$0x3FAF] =	sst s1  }
0xa: {  	[smem:$0x3FB0] =	sst s2  }
0xb: {  	[smem:$0x3FB1] =	sst s3  }
0xc: {  	[smem:$0x3FB2] =	sst s4  }
0xd: {  	[smem:$0x3FB3] =	sst s5  }
0xe: {  	[smem:$0x3FB4] =	sst s6  }
0xf: {  	[smem:$0x3FB5] =	sst s7  }
0x10: {  	[smem:$0x3FB6] =	sst s8  }
0x11: {  	[smem:$0x3FB7] =	sst s9;
	s0 =	simm.s32 @!p0 $0x0  }
0x12: {  	s1 =	sld [smem:$0x3F9D];
	s0 =	simm.s32 @p0 $0x1  }
0x13: {  	[smem:$0x3FB8] =	sst s0;
	s0 =	simm.s32 @!p1 $0x0  }
0x14: {  	s2 =	sld [smem:$0x3F9C];
	s0 =	simm.s32 @p1 $0x1  }
0x15: {  	[smem:$0x3FB9] =	sst s0;
	s0 =	simm.s32 @!p2 $0x0  }
0x16: {  	s3 =	sld [smem:$0x3FDB];
	s0 =	simm.s32 @p2 $0x1  }
0x17: {  	s4 =	simm.s32 $0x1BF5;
	[smem:$0x3FBB] =	sst s0  }
0x18: {  	s0 =	sld [smem:$0x3F9E];
	_ =	swait.ge [sflag:s4], $0x0  }
0x19: {  	s7 =	sld [smem:$0x3F9F]  }
0x1a: {  	s8 =	sadd.s32 $0xFFFFE003, lr  }
0x1b: {  	s9 =	sadd.s32 $0xFFFFFEF7, lr;
	s5 =	simm.s32 $0xFFFFFFFF;
	p2 =	slt.u32 s8, $0xFFFFF086  }
0x1c: {  	p1 =	slt.u32 s9, $0xF7A;
	s5 =	simm.s32 @!p2 $0x0  }
0x1d: {  	s5 =	simm.s32 @p1 $0x1;
	p0 =	seq.s32 s7, s2  }
0x1e: {  	s7 =	smul.u32 @!p0 $0xF7A, s2;
	p2 =	seq.s32 @!p0 s5, $0x0  }
0x1f: {  	s9 =	smul.u32 $0xF7A, s1;
	s8 =	simm.s32 @!p0 $0x1BF5;
	p2 =	por !p2, p0  }
0x20: {  	[sflag:s8] =	ssyncset.s32 @!p0 $0xFFFFF086;
	s6 =	sadd.s32 @!p0 s3, s7;
	s7 =	simm.s32 @!p0 $0x108  }
0x21: {  	s3 =	sadd.s32 s3, s9;
	s6 =	sadd.s32 @!p0 $0x88, s6;
	s7 =	simm.s32 @p2 $0x1082  }
0x22: {  	[simem:s7], [sflag:s8] =	dma.local @!p0 [hbm:s6], $0xF7A  }
0x23: {  	s9 =	sor.u32 $0xD0000000, s2;
	s6 =	simm.s32 $0x108;
	_ =	swait.ge @!p0 [sflag:s8], $0x0  }
0x24: {  	s3 =	sadd.s32 $0x88, s3;
	s6 =	simm.s32 @!p1 $0x1082;
	[sflag:s4] =	ssyncset.s32 $0xFFFFF086  }
0x25: {  	[simem:s6], [sflag:s4] =	dma.local [hbm:s3], $0xF7A  }
0x26: {  	[smem:$0x3F9F] =	sst s1;
	(tag) =	ssettag s2;
	_ =	strace s9  }
0x27: {  	s1 =	sld [smem:$0x3FAF]  }
0x28: {  	s2 =	sld [smem:$0x3FB0]  }
0x29: {  	s4 =	sld [smem:$0x3FB2]  }
0x2a: {  	p0 =	seq.s32 s5, $0x0;
	s5 =	sld [smem:$0x3FB3]  }
0x2b: {  	s6 =	sld [smem:$0x3FB4]  }
0x2c: {  	s7 =	sld [smem:$0x3FB5]  }
0x2d: {  	s3 =	simm.s32 $0x108;
	s8 =	sld [smem:$0x3FB6]  }
0x2e: {  	s3 =	simm.s32 @!p0 $0x1082;
	s9 =	sld [smem:$0x3FB7]  }
0x2f: {  	lr =	sadd.s32 s0, s3;
	s0 =	sld [smem:$0x3FAE]  }
0x30: {  	s3 =	sld [smem:$0x3FB1]  }
0x31: {  	[smem:$0x3FBA] =	sst s10  }
0x32: {  	s10 =	sld [smem:$0x3FB8];
	_ =	sdelay $0x3  }
0x33: {  	p0 =	seq.s32 s10, $0x1;
	s10 =	sld [smem:$0x3FBA];
	_ =	sdelay $0x3  }
0x34: {  	[smem:$0x3FBA] =	sst s10  }
0x35: {  	s10 =	sld [smem:$0x3FB9];
	_ =	sdelay $0x3  }
0x36: {  	p1 =	seq.s32 s10, $0x1;
	s10 =	sld [smem:$0x3FBA];
	_ =	sdelay $0x3  }
0x37: {  	[smem:$0x3FBA] =	sst s10  }
0x38: {  	s10 =	sld [smem:$0x3FBB]  }
0x39: {  	_ = 	snop;
	(pc) =	sbr.ind lr, $3  }
0x3a: {  	_ = 	snop  }
0x3b: {  	_ = 	snop  }
0x3c: {  	p2 =	seq.s32 s10, $0x1;
	s10 =	sld [smem:$0x3FBA]  }
0x3d: {  	_ =	shalt  }
0x3e: {  	_ =	shalt  }
0x3f: {  	_ =	shalt  }
0x40: {  	_ =	shalt  }
0x41: {  	_ =	shalt  }
0x42: {  	_ =	shalt  }
0x43: {  	_ =	shalt  }
0x44: {  	_ =	shalt  }
0x45: {  	_ =	shalt  }
0x46: {  	_ =	shalt  }
0x47: {  	_ =	shalt  }
0x48: {  	_ =	shalt  }
0x49: {  	_ =	shalt  }
0x4a: {  	_ =	shalt  }
0x4b: {  	_ =	shalt  }
0x4c: {  	_ =	shalt  }
0x4d: {  	_ =	shalt  }
0x4e: {  	_ =	shalt  }
0x4f: {  	_ =	shalt  }
0x50: {  	_ =	shalt  }
0x51: {  	_ =	shalt  }
0x52: {  	_ =	shalt  }
0x53: {  	_ =	shalt  }
0x54: {  	_ =	shalt  }
0x55: {  	_ =	shalt  }
0x56: {  	_ =	shalt  }
0x57: {  	_ =	shalt  }
0x58: {  	_ =	shalt  }
0x59: {  	_ =	shalt  }
0x5a: {  	_ =	shalt  }
0x5b: {  	_ =	shalt  }
0x5c: {  	_ =	shalt  }
0x5d: {  	_ =	shalt  }
0x5e: {  	_ =	shalt  }
0x5f: {  	_ =	shalt  }
0x60: {  	_ =	shalt  }
0x61: {  	_ =	shalt  }
0x62: {  	_ =	shalt  }
0x63: {  	_ =	shalt  }
0x64: {  	_ =	shalt  }
0x65: {  	_ =	shalt  }
0x66: {  	_ =	shalt  }
0x67: {  	_ =	shalt  }
0x68: {  	_ =	shalt  }
0x69: {  	_ =	shalt  }
0x6a: {  	_ =	shalt  }
0x6b: {  	_ =	shalt  }
0x6c: {  	_ =	shalt  }
0x6d: {  	_ =	shalt  }
0x6e: {  	_ =	shalt  }
0x6f: {  	_ =	shalt  }
0x70: {  	_ =	shalt  }
0x71: {  	_ =	shalt  }
0x72: {  	_ =	shalt  }
0x73: {  	_ =	shalt  }
0x74: {  	_ =	shalt  }
0x75: {  	_ =	shalt  }
0x76: {  	_ =	shalt  }
0x77: {  	_ =	shalt  }
0x78: {  	_ =	shalt  }
0x79: {  	_ =	shalt  }
0x7a: {  	_ =	shalt  }
0x7b: {  	_ =	shalt  }
0x7c: {  	_ =	shalt  }
0x7d: {  	_ =	shalt  }
0x7e: {  	_ =	shalt  }
0x7f: {  	_ =	shalt  }
0x80: {  	_ =	shalt  }
0x81: {  	_ =	shalt  }
0x82: {  	_ =	shalt  }
0x83: {  	_ =	shalt  }
0x84: {  	_ =	shalt  }
0x85: {  	_ =	shalt  }
0x86: {  	_ =	shalt  }
0x87: {  	_ =	shalt  }
.Lfunc_end0:
.L_simem_size_0:
called_computation.1_lowered:
.L_overlay_start_0:
0x88: {  	s2 =	sld [smem:$0x3FD9]  }
0x89: {  	s3 =	sld [smem:$0x3FFE];
	_ =	sdelay $0x1  }
0x8a: {  	s1 =	srdreg.scid  }
0x8b: {  	s0 =	sand.u32 $0x1, s1  }
0x8c: {  	s17 =	sshll.u32 s0, $0xA;
	s2 =	sadd.s32 s3, s2  }
0x8d: {  	s2 =	sadd.s32 s2, s17  }
0x8e: {  	[smem:$0x3FC6] =	sst s2  }
0x8f: {  	_ = 	snop  }
0x90: {  	s2 =	sld [smem:$0x3FD0];
	(tm) =	ssettm $0x1  }
0x91: {  	s18 =	sld [smem:$0x3FFB];
	_ =	sdelay $0x3  }
0x92: {  	_ =	strace s18  }
0x93: {  	s3 =	sld [smem:$0x3FFC];
	_ =	sdelay $0x3  }
0x94: {  	_ =	strace s3  }
0x95: {  	s3 =	sld [smem:$0x3FFD];
	_ =	sdelay $0x3  }
0x96: {  	_ =	strace s3  }
0x97: {  	_ =	strace $0x8FFFFFFF  }
0x98: {  	s19 =	sld [smem:$0x3FDB];
	_ =	sdelay $0x1  }
0x99: {  	s4 =	simm.s32 $_scs_section_size  }
0x9a: {  	s5 =	simm.s32 $_size__tile_overlayer_lowered;
	s6 =	simm.s32 $_tile_overlayer_lowered  }
0x9b: {  	s22 =	simm.s32 $0x1BFF;
	s21 =	sshll.u32 s6, $0x1;
	s3 =	sadd.s32 s4, s19  }
0x9c: {  	s7 =	simm.s32 $0x0;
	s20 =	sshll.u32 s5, $0x1;
	s5 =	sadd.s32 s21, s3  }
0x9d: {  	[timem:s7], [sflag:s22] =	dma.local [hbm:s5], s20  }
0x9e: {  	_ =	swait.ge [sflag:s22], s20  }
0x9f: {  	s4 =	ssub.s32 $0x0, s20;
	[sflag:s22] =	ssyncset.done $0x0  }
0xa0: {  	[sflag:s22] =	ssyncadd.s32 s4;
	_ =	sdelay $0x1  }
0xa1: {  	s23 =	simm.s32 $0x1B8B  }
0xa2: {  	_ =	swait.ge [sflag:s23], $0x1  }
0xa3: {  	[sflag:s23] =	ssyncset.done $0x0  }
0xa4: {  	s25 =	simm.s32 $0x1B8E;
	s24 =	sld [smem:$0x3FFE];
	[sflag:s23] =	ssyncadd.s32 $0xFFFFFFFF  }
0xa5: {  	s26 =	simm.s32 $execute0_lowered;
	[smem:$0x3FD2] =	sst s25  }
0xa6: {  	s5 =	sshll.u32 s26, $0x1;
	_ =	strace $0x80000046;
	[dreg:$0x1] =	wrdreg $0xFFFFFFFF  }
0xa7: {  	s28 =	simm.s32 $_size_execute0_lowered;
	s3 =	sadd.s32 s3, s5;
	[dreg:$0x0] =	wrdreg $0x0  }
0xa8: {  	s5 =	sshll.u32 s28, $0x1;
	[dreg:$0x2] =	wrdreg s3  }
0xa9: {  	[dreg:$0x3] =	wrdreg s5  }
0xaa: {  	[dreg:$0x4] =	wrdreg $0xC0  }
0xab: {  	_ =	task [dreg:s7], $0x5FFFF  }
0xac: {  	[dreg:$0x1] =	wrdreg $0xFFFFFFFF  }
0xad: {  	[dreg:$0x0] =	wrdreg $0x60  }
0xae: {  	[dreg:$0x2] =	wrdreg s24  }
0xaf: {  	[dreg:$0x3] =	wrdreg s2  }
0xb0: {  	[dreg:$0x4] =	wrdreg $0x9  }
0xb1: {  	_ =	task.clear_ibuf [dreg:s7], $0x5FFFF;
	_ =	strace $0x90000046  }
0xb2: {  	s29 =	simm.s32 $0x9;
	_ =	strace $0x80000048  }
0xb3: {  	_ =	swait.ge [sflag:s29], $0x1  }
0xb4: {  	[sflag:s29] =	ssyncadd.s32 $0xFFFFFFFF  }
0xb5: {  	_ =	strace $0x90000048  }
0xb6: {  	_ =	sfence  }
0xb7: {  	s30 =	sld [smem:$0x0];
	_ =	sdelay $0x2  }
0xb8: {  	s31 =	sshll.u32 s1, $0xD;
	s1 =	sshrl.u32 s1, $0x2  }
0xb9: {  	s3 =	sand.u32 $0x4000, s31;
	s1 =	sadd.s32 s1, s30  }
0xba: {  	s0 =	sor.u32 s3, s0;
	s1 =	sshll.u32 s1, $0x11  }
0xbb: {  	s0 =	sor.u32 s1, s0  }
0xbc: {  	s0 =	sadd.s32 $0x8F2B, s0  }
0xbd: {  	[sflag:s0] =	ssyncadd.remote.s32 $0x1  }
0xbe: {  	_ =	sfence.sel $0xFFFF  }
0xbf: {  	[dreg:$0x0] =	wrdreg $0xFFFFFFFF;
	(pc) =	sbr.abs _section_cstart, $3  }
0xc0: {  	[dreg:$0x1] =	wrdreg $0xFFFFFFFF  }
0xc1: {  	_ =	task.clear_ibuf [dreg:s7], $0x2FFFF;
	_ =	strace $0x9FFFFFFF  }
0xc2: {  	(tm) =	ssettm $0x7FFFFFFF  }
0xc3: {  	_ =	shalt  }
tec
execute0_lowered:
.L_overlay_start_1:
0x0: {  	(tag) =	ssettag $0x1  }
0x1: {  	s5 =	rddreg [dreg:$0x0]  }
0x2: {  	s1 =	rddreg [dreg:$0x1]  }
0x3: {  	s0 =	rddreg [dreg:$0x2];
	s2 =	simm.s32 $0x0;
	s3 =	srdreg.scid  }
0x4: {  	s10 =	simm.s32 $0x2080;
	s11 =	simm.s32 $0x1;
	s12 =	simm.s32 $0x0  }
0x5: {  	[smem:$0x7FF] =	sst s2;
	s6 =	sand.u32 $0x1, s3;
	s4 =	sadd.s32 $0xA00, s5  }
0x6: {  	s3 =	stileid.u32;
	s5 =	sadd.s32 $0x8A00, s5;
	s7 =	ssub.s32 $0x2, s6  }
0x7: {  	s9 =	sshll.u32 s3, $0x10;
	s6 =	sshll.u32 s6, $0xF;
	s8 =	sshrl.u32 s7, $0x1  }
0x8: {  	_ =	strace $0x80000047;
	s6 =	sor.u32 s6, s9;
	s7 =	ssub.s32 s7, s8  }
0x9: {  	v0 =	vlaneseq.u32;
	s9 =	simm.s32 $0x2;
	s8 =	simm.s32 $0x80;
	s7 =	smax.u32 s7, $0x1  }
.LBB2_1:
0xa: {  	s13 =	simm.s32 $0x0  }
.LBB2_2:
0xb: {  	s14 =	sshll.u32 s13, $0x7  }
0xc: {  	s14 =	sadd.s32 s6, s14  }
0xd: {  	v1 =	vmov s14  }
0xe: {  	v2 =	vor.u32 s14, v0;
	s15 =	sor.u32 $0x10, s14;
	s24 =	sor.u32 $0x20, s14;
	v1 =	vshrl.u32 v1, $0xA  }
0xf: {  	s25 =	sor.u32 $0x30, s14;
	v2 =	vand.u32 $0x38F, v2;
	v3 =	vor.u32 s15, v0;
	v4 =	vmov s24  }
0x10: {  	s26 =	sor.u32 $0x40, s14;
	s28 =	sor.u32 $0x50, s14;
	v5 =	vor.u32 s24, v0;
	v50 =	vmov s25;
	v51 =	vor.u32 s25, v0  }
0x11: {  	s29 =	sor.u32 $0x60, s14;
	v6 =	vmov s26;
	v7 =	vor.u32 s26, v0;
	v54 =	vmov s28  }
0x12: {  	s30 =	sor.u32 $0x70, s14;
	v55 =	vor.u32 s28, v0;
	v58 =	vmov s29;
	v59 =	vor.u32 s29, v0  }
0x13: {  	v61 =	vmov s30;
	v62 =	vor.u32 s30, v0;
	v1 =	vsub.s32 v1, v2  }
0x14: {  	v2 =	vmov s15;
	v3 =	vand.u32 $0x3FF, v3;
	v49 =	vand.u32 $0x3FF, v5  }
0x15: {  	v5 =	vand.u32 $0x3FF, v51;
	v52 =	vshrl.u32 v6, $0xA;
	v53 =	vand.u32 $0x3FF, v7  }
0x16: {  	v56 =	vshrl.u32 v54, $0xA;
	v57 =	vand.u32 $0x3FF, v55;
	v2 =	vshrl.u32 v2, $0xA  }
0x17: {  	v1 =	vadd.s32 $0x3FF, v1;
	v2 =	vsub.s32 v2, v3;
	v3 =	vshrl.u32 v4, $0xA  }
0x18: {  	v4 =	vshrl.u32 v50, $0xA;
	[tilespmem:$0x0] =	vst v1;
	v2 =	vadd.s32 $0x3FF, v2;
	v3 =	vsub.s32 v3, v49  }
0x19: {  	v60 =	vand.u32 $0x3FF, v59;
	v4 =	vsub.s32 v4, v5;
	v3 =	vadd.s32 $0x3FF, v3;
	[tilespmem:$0x10] =	vst v2  }
0x1a: {  	v63 =	vand.u32 $0x3FF, v62;
	v5 =	vsub.s32 v52, v53;
	v1 =	vadd.s32 $0x3FF, v4;
	[tilespmem:$0x20] =	vst v3  }
0x1b: {  	v2 =	vsub.s32 v56, v57;
	v4 =	vshrl.u32 v58, $0xA;
	v3 =	vadd.s32 $0x3FF, v5;
	[tilespmem:$0x30] =	vst v1  }
0x1c: {  	v1 =	vsub.s32 v4, v60;
	v2 =	vadd.s32 $0x3FF, v2;
	[tilespmem:$0x40] =	vst v3;
	v3 =	vshrl.u32 v61, $0xA  }
0x1d: {  	[tilespmem:$0x50] =	vst v2;
	v1 =	vadd.s32 $0x3FF, v1;
	v2 =	vsub.s32 v3, v63  }
0x1e: {  	s14 =	sshll.u32 s14, $0x3;
	[tilespmem:$0x60] =	vst v1;
	v1 =	vadd.s32 $0x3FF, v2  }
0x1f: {  	s16 =	simm.s32 $0x0;
	s31 =	sadd.s32 s1, s14;
	[tilespmem:$0x70] =	vst v1  }
0x20: {  	[tilespmem:s8], [sflag:$0x2] =	stream.linear.gather [hbm4b:s31+s16], $0x2000, $0x38;
	[tilespmem:$0x6080] =	vst v63  }
0x21: {  	_ =	swait.ge [sflag:s9], $0x2000  }
0x22: {  	[sflag:s9] =	ssyncset.done $0x0  }
0x23: {  	[sflag:s9] =	ssyncadd.s32 $0xFFFFE000  }
0x24: {  	[tilespmem:s10], [sflag:$0x1] =	stream.indirect.gather [hbm4b:s4+s8], $0x80, s16, s8, $0xb8;
	[tilespmem:$0x6080] =	vst v63  }
0x25: {  	_ =	swait.ge [sflag:s11], $0x4000  }
0x26: {  	[sflag:s11] =	ssyncset.done $0x0  }
0x27: {  	s15 =	simm.s32 $0xA0;
	[sflag:s11] =	ssyncadd.s32 $0xFFFFC000  }
0x28: {  	s17 =	simm.s32 $0x0;
	s18 =	simm.s32 $0x200;
	s16 =	simm.s32 $0xA0;
	v1 =	vld [tilespmem:s15+$0xFFFFFFE0]  }
.LBB2_3:
0x29: {  	p0 =	sne.s32 s18, $0xFE00;
	v2 =	vld [tilespmem:s17+$0x2080];
	_ =	sdelay $0x4  }
0x2a: {  	v1 =	vadd.f32 v2, v1;
	_ =	sdelay $0x1  }
0x2b: {  	[tilespmem:s15+$0xFFFFFFE0] =	vst v1;
	v1 =	vld [tilespmem:s15+$0xFFFFFFF0]  }
0x2c: {  	v2 =	vld [tilespmem:s17+$0x2090];
	_ =	sdelay $0x4  }
0x2d: {  	v1 =	vadd.f32 v2, v1;
	_ =	sdelay $0x1  }
0x2e: {  	[tilespmem:s15+$0xFFFFFFF0] =	vst v1;
	v1 =	vld [tilespmem:s15+$0x0]  }
0x2f: {  	v2 =	vld [tilespmem:s17+$0x20A0];
	_ =	sdelay $0x4  }
0x30: {  	v1 =	vadd.f32 v2, v1;
	_ =	sdelay $0x1  }
0x31: {  	[tilespmem:s15+$0x0] =	vst v1;
	v1 =	vld [tilespmem:s15+$0x10]  }
0x32: {  	v2 =	vld [tilespmem:s17+$0x20B0];
	_ =	sdelay $0x2  }
.Ltmp0:
0x33: {  	(pc) =	sbr.rel @p0 .LBB2_3-.Ltmp0, $4  }
0x34: {  	_ = 	snop  }
0x35: {  	v2 =	vadd.f32 v2, v1  }
0x36: {  	s15 =	sadd.s32 $0x40, s15  }
0x37: {  	s17 =	sshra.s32 s18, $0x2;
	s18 =	sadd.s32 $0x200, s18;
	v1 =	vld [tilespmem:s15+$0xFFFFFFE0];
	[tilespmem:s16+$0x10] =	vst v2;
	s16 =	smov.u32 s15  }
0x38: {  	v2 =	vld [tilespmem:s17+$0x2080];
	_ =	sdelay $0x4  }
0x39: {  	v1 =	vadd.f32 v2, v1;
	_ =	sdelay $0x1  }
0x3a: {  	[tilespmem:s15+$0xFFFFFFE0] =	vst v1;
	v1 =	vld [tilespmem:s15+$0xFFFFFFF0]  }
0x3b: {  	v2 =	vld [tilespmem:s17+$0x2090];
	_ =	sdelay $0x4  }
0x3c: {  	v1 =	vadd.f32 v2, v1;
	_ =	sdelay $0x1  }
0x3d: {  	[tilespmem:s15+$0xFFFFFFF0] =	vst v1;
	v1 =	vld [tilespmem:s15+$0x0]  }
0x3e: {  	v2 =	vld [tilespmem:s17+$0x20A0];
	_ =	sdelay $0x4  }
0x3f: {  	v1 =	vadd.f32 v2, v1;
	_ =	sdelay $0x1  }
0x40: {  	[tilespmem:s15+$0x0] =	vst v1;
	v1 =	vld [tilespmem:s15+$0x10]  }
0x41: {  	v2 =	vld [tilespmem:s17+$0x20B0];
	_ =	sdelay $0x4  }
0x42: {  	s13 =	sadd.s32 $0x1, s13;
	v1 =	vadd.f32 v2, v1  }
0x43: {  	p0 =	sne.s32 s13, $0x100  }
.Ltmp1:
0x44: {  	s14 =	sadd.s32 s5, s14;
	[tilespmem:s16+$0x10] =	vst v1;
	(pc) =	sbr.rel @p0 .LBB2_2-.Ltmp1, $4  }
0x45: {  	[hbm4b:s14+s2] =	stream.linear.scatter [tilespmem:s8], [sflag:$0x2], $0x2000, $0x38;
	[tilespmem:$0x6080] =	vst v63  }
0x46: {  	_ =	swait.ge [sflag:s9], $0x2000  }
0x47: {  	[sflag:s9] =	ssyncset.done $0x0  }
0x48: {  	[sflag:s9] =	ssyncadd.s32 $0xFFFFE000  }
0x49: {  	s12 =	sadd.s32 $0x1, s12  }
0x4a: {  	p0 =	sne.s32 s12, s7  }
.Ltmp2:
0x4b: {  	_ = 	snop;
	(pc) =	sbr.rel @p0 .LBB2_1-.Ltmp2, $1  }
0x4c: {  	_ =	sdelay $0x3  }
0x4d: {  	_ =	sfence.sel $0x180000  }
0x4e: {  	[bflag:$0x0] =	sbarrier.arrive $0xFFFF  }
0x4f: {  	p0 =	sne.s32 s3, $0x0;
	_ =	strace $0x90000047  }
0x50: {  	s0 =	sadd.s32 @!p0 $0x100000, s0;
	[bflag:$0x2] =	sbarrier.arrive $0xFFFF  }
0x51: {  	[sflag:s0] =	ssyncadd.tile.s32 @!p0 $0x1;
	_ =	shalt  }
.Lfunc_end2:
_tile_overlayer_lowered:
.L_overlay_start_2:
0x52: {  	(tag) =	ssettag $0x2  }
0x53: {  	s0 =	rddreg [dreg:$0x0];
	s2 =	stileid.u32  }
0x54: {  	s1 =	rddreg [dreg:$0x1];
	p0 =	sne.s32 s2, $0x0  }
0x55: {  	s3 =	rddreg [dreg:$0x2];
	[bflag:$0x3] =	sbarrier.arrive $0xFFFF;
	s2 =	simm.s32 @!p0 $0x1C02  }
0x56: {  	[timem:s3], [sflag:s2] =	dma.local @!p0 [hbm:s0], s1  }
0x57: {  	s0 =	simm.s32 @!p0 $0x2  }
0x58: {  	_ =	swait.ge @!p0 [sflag:s0], s1  }
0x59: {  	s1 =	ssub.s32 @!p0 $0x0, s1;
	[sflag:s0] =	ssyncset.done @!p0 $0x0  }
0x5a: {  	[sflag:s0] =	ssyncadd.s32 @!p0 s1  }
0x5b: {  	[bflag:$0x3] =	sbarrier.arrive $0xFFFF  }
0x5c: {  	_ =	shalt  }

// kernel: sparse-core-data-format-call.cloned.1.call-start
scs
called_computation_lowered:
.L_overlay_start_0:
0x0: {  	s2 =	sld [smem:$0x3FD9]  }
0x1: {  	s3 =	sld [smem:$0x3FFE];
	_ =	sdelay $0x1  }
0x2: {  	s1 =	srdreg.scid  }
0x3: {  	s0 =	sand.u32 $0x1, s1  }
0x4: {  	s18 =	sshll.u32 s0, $0xA;
	s2 =	sadd.s32 s3, s2  }
0x5: {  	s2 =	sadd.s32 s2, s18  }
0x6: {  	[smem:$0x3FC6] =	sst s2  }
0x7: {  	_ = 	snop  }
0x8: {  	s2 =	sld [smem:$0x3FD0];
	(tm) =	ssettm $0x1  }
0x9: {  	s19 =	sld [smem:$0x3FFB];
	_ =	sdelay $0x3  }
0xa: {  	_ =	strace s19  }
0xb: {  	s3 =	sld [smem:$0x3FFC];
	_ =	sdelay $0x3  }
0xc: {  	_ =	strace s3  }
0xd: {  	s3 =	sld [smem:$0x3FFD];
	_ =	sdelay $0x3  }
0xe: {  	_ =	strace s3  }
0xf: {  	_ =	strace $0x8FFFFFFF  }
0x10: {  	s20 =	sld [smem:$0x3FDB];
	_ =	sdelay $0x1  }
0x11: {  	s4 =	simm.s32 $_scs_section_size  }
0x12: {  	s5 =	simm.s32 $_size__tile_overlayer_lowered;
	s6 =	simm.s32 $_tile_overlayer_lowered  }
0x13: {  	s23 =	simm.s32 $0x1BFF;
	s22 =	sshll.u32 s6, $0x1;
	s3 =	sadd.s32 s4, s20  }
0x14: {  	s7 =	simm.s32 $0x0;
	s21 =	sshll.u32 s5, $0x1;
	s5 =	sadd.s32 s22, s3  }
0x15: {  	[timem:s7], [sflag:s23] =	dma.local [hbm:s5], s21  }
0x16: {  	_ =	swait.ge [sflag:s23], s21  }
0x17: {  	s4 =	ssub.s32 $0x0, s21;
	[sflag:s23] =	ssyncset.done $0x0  }
0x18: {  	[sflag:s23] =	ssyncadd.s32 s4;
	_ =	sdelay $0x1  }
0x19: {  	s24 =	simm.s32 $0x1B8B  }
0x1a: {  	_ =	swait.ge [sflag:s24], $0x1  }
0x1b: {  	[sflag:s24] =	ssyncset.done $0x0  }
0x1c: {  	s26 =	simm.s32 $0x1B8E;
	s25 =	sld [smem:$0x3FFE];
	[sflag:s24] =	ssyncadd.s32 $0xFFFFFFFF  }
0x1d: {  	s27 =	simm.s32 $execute0_lowered;
	[smem:$0x3FD2] =	sst s26  }
0x1e: {  	s5 =	sshll.u32 s27, $0x1;
	_ =	strace $0x80000049;
	[dreg:$0x1] =	wrdreg $0xFFFFFFFF  }
0x1f: {  	s28 =	simm.s32 $_size_execute0_lowered;
	s3 =	sadd.s32 s3, s5;
	[dreg:$0x0] =	wrdreg $0x0  }
0x20: {  	s5 =	sshll.u32 s28, $0x1;
	[dreg:$0x2] =	wrdreg s3  }
0x21: {  	[dreg:$0x3] =	wrdreg s5  }
0x22: {  	[dreg:$0x4] =	wrdreg $0xC0  }
0x23: {  	_ =	task [dreg:s7], $0x5FFFF  }
0x24: {  	[dreg:$0x1] =	wrdreg $0xFFFFFFFF  }
0x25: {  	[dreg:$0x0] =	wrdreg $0x60  }
0x26: {  	[dreg:$0x2] =	wrdreg s25  }
0x27: {  	[dreg:$0x3] =	wrdreg s2  }
0x28: {  	[dreg:$0x4] =	wrdreg $0x9  }
0x29: {  	_ =	task.clear_ibuf [dreg:s7], $0x5FFFF;
	_ =	strace $0x90000049  }
0x2a: {  	s29 =	simm.s32 $0x9;
	_ =	strace $0x8000004B  }
0x2b: {  	_ =	swait.ge [sflag:s29], $0x1  }
0x2c: {  	[sflag:s29] =	ssyncadd.s32 $0xFFFFFFFF  }
0x2d: {  	_ =	strace $0x9000004B  }
0x2e: {  	_ =	sfence  }
0x2f: {  	s30 =	sld [smem:$0x0];
	_ =	sdelay $0x2  }
0x30: {  	s31 =	sshll.u32 s1, $0xD;
	s1 =	sshrl.u32 s1, $0x2  }
0x31: {  	s3 =	sand.u32 $0x4000, s31;
	s1 =	sadd.s32 s1, s30  }
0x32: {  	s0 =	sor.u32 s3, s0;
	s1 =	sshll.u32 s1, $0x11  }
0x33: {  	s0 =	sor.u32 s1, s0  }
0x34: {  	s0 =	sadd.s32 $0x8F2B, s0  }
0x35: {  	[sflag:s0] =	ssyncadd.remote.s32 $0x1  }
0x36: {  	_ =	sfence.sel $0xFFFF  }
0x37: {  	[dreg:$0x0] =	wrdreg $0xFFFFFFFF;
	(pc) =	sbr.abs _section_cstart, $3  }
0x38: {  	[dreg:$0x1] =	wrdreg $0xFFFFFFFF  }
0x39: {  	_ =	task.clear_ibuf [dreg:s7], $0x2FFFF;
	_ =	strace $0x9FFFFFFF  }
0x3a: {  	(tm) =	ssettm $0x7FFFFFFF  }
0x3b: {  	_ =	shalt  }
tec
execute0_lowered:
.L_overlay_start_1:
0x0: {  	(tag) =	ssettag $0x1  }
0x1: {  	s0 =	srdreg.scid  }
0x2: {  	s7 =	rddreg [dreg:$0x0];
	s1 =	sshll.u32 s0, $0x4  }
0x3: {  	s3 =	rddreg [dreg:$0x1];
	s0 =	stileid.u32;
	s1 =	sand.u32 $0x10, s1  }
0x4: {  	s6 =	simm.s32 $0x1;
	s31 =	simm.s32 $0x2;
	s1 =	sor.u32 s0, s1  }
0x5: {  	s13 =	simm.s32 $0x0;
	s9 =	simm.s32 $0x2000;
	s2 =	sshll.u32 s1, $0x1  }
0x6: {  	s14 =	simm.s32 $0x0;
	s10 =	simm.s32 $0x0;
	s4 =	ssub.s32 $0x400, s2  }
0x7: {  	s12 =	simm.s32 $0x0;
	s1 =	rddreg [dreg:$0x2];
	s5 =	sand.u32 $0x3E, s4  }
.Ltmp0:
0x8: {  	_ =	strace $0x8000004A;
	p0 =	sne.s32 s5, $0x0;
	(pc) =	sbr.rel .LBB1_1-.Ltmp0, $4  }
0x9: {  	s11 =	smov.u32 s2;
	s8 =	sshrl.u32 s4, $0x6;
	s6 =	simm.s32 @!p0 $0x0  }
0xa: {  	s4 =	sadd.s32 $0x808A00, s7;
	s5 =	simm.s32 $0x1;
	s6 =	sadd.s32 s6, s8  }
0xb: {  	s7 =	sadd.s32 $0x80CA00, s7;
	[sflag:s5] =	ssyncpa.u1 $0x0;
	s6 =	sshll.u32 s6, $0x3  }
0xc: {  	p0 =	por $0x0, $0x0;
	[sflag:s31] =	ssyncpa.u1 $0x0;
	s8 =	sor.u32 $0x1, s6  }
.LBB1_7:
0xd: {  	s15 =	sadd.s32 $0x80, s10  }
0xe: {  	s13 =	sadd.s32 $0x40, s11;
	s17 =	smov.u32 s11;
	p2 =	sgt.s32 s15, $0x3FF  }
0xf: {  	s17 =	smov.u32 @p2 s13  }
0x10: {  	s15 =	simm.s32 @p2 $0x0;
	p2 =	sgt.s32 s17, $0x3FF  }
0x11: {  	s17 =	smov.u32 @p2 s2;
	p2 =	sne.s32 s12, s8  }
.Ltmp1:
0x12: {  	p1 =	slt.u32 s12, $0x2;
	(pc) =	sbr.rel @!p2 .LBB1_8-.Ltmp1, $4  }
0x13: {  	s16 =	simm.s32 @!p1 $0x2  }
0x14: {  	s14 =	smov.u32 s11;
	p0 =	por !p0, !p0;
	_ =	swait.ge @!p1 [sflag:s16], $0x4000  }
0x15: {  	s13 =	smov.u32 s10;
	[sflag:s16] =	ssyncset.done @!p1 $0x0;
	s10 =	smov.u32 s15  }
0x16: {  	s12 =	sadd.s32 $0x1, s12;
	[sflag:s16] =	ssyncadd.s32 @!p1 $0xFFFFC000;
	s11 =	smov.u32 s17  }
.LBB1_1:
0x17: {  	p1 =	sge.u32 s12, s6  }
0x18: {  	s15 =	sxor.u32 @!p1 $0xFFFFFFFF, s12;
	s16 =	sshll.u32 @!p1 s11, $0xE  }
0x19: {  	s17 =	sshll.u32 @!p1 s10, $0x4;
	s19 =	simm.s32 @!p1 $0x40;
	s20 =	simm.s32 @!p1 $0x80  }
0x1a: {  	s15 =	sshll.u32 @!p1 s15, $0xE;
	s17 =	sand.u32 @!p1 $0x3FF0, s17;
	s18 =	sadd.s32 @!p1 s4, s16  }
0x1b: {  	s16 =	sadd.s32 @!p1 s16, s7;
	s15 =	sand.u32 @!p1 $0x4000, s15;
	s18 =	sadd.s32 @!p1 s17, s18  }
0x1c: {  	[tilespmem:s15], [sflag:$0x1] =	stream.strided.gather @!p1 [hbm4b:s18+s19], $0x2000, s20, s19, $0x38;
	[tilespmem:$0x10100] =	vst v63  }
0x1d: {  	s31 =	sadd.s32 $0xFFFFFFFF, s12;
	s16 =	sadd.s32 @!p1 s17, s16;
	s15 =	sor.u32 @!p1 $0x2000, s15  }
0x1e: {  	[tilespmem:s15], [sflag:$0x1] =	stream.strided.gather @!p1 [hbm4b:s16+s19], $0x2000, s20, s19, $0x38;
	[tilespmem:$0x10100] =	vst v63  }
0x1f: {  	p1 =	sge.u32 s31, s6  }
.Ltmp2:
0x20: {  	_ = 	snop;
	(pc) =	sbr.rel @p1 .LBB1_7-.Ltmp2, $1  }
0x21: {  	_ =	sdelay $0x3  }
0x22: {  	s15 =	simm.s32 $0x1;
	s17 =	sand.u32 $0x1, s12  }
0x23: {  	_ =	swait.ge [sflag:s5], $0x4000;
	s15 =	simm.s32 @!p0 $0x0;
	s17 =	smul.u32 $0x10200, s17  }
0x24: {  	p2 =	por $0x1, $0x1;
	[sflag:s5] =	ssyncset.done $0x0;
	s16 =	smul.u32 $0x10200, s15  }
0x25: {  	s18 =	sshll.u32 s15, $0x10;
	[sflag:s5] =	ssyncadd.s32 $0xFFFFC000;
	s30 =	sshrl.u32 s17, $0x2  }
0x26: {  	s31 =	sshrl.u32 s18, $0x2;
	s18 =	simm.s32 $0x0;
	s16 =	sshrl.u32 s16, $0x2  }
0x27: {  	s15 =	sor.u32 $0x8000, s30;
	s17 =	sadd.s32 $0x20, s31;
	s16 =	sor.u32 $0x8000, s16  }
.LBB1_3:
0x28: {  	s19 =	sshll.u32 s18, $0xD  }
0x29: {  	s19 =	sand.u32 $0x3FFFE000, s19  }
0x2a: {  	s21 =	sadd.s32 s19, s17  }
0x2b: {  	s31 =	smul.u32 $0x8100, s18;
	v3 =	vld [tilespmem:s21+$0x10]  }
0x2c: {  	v1 =	vld [tilespmem:s21+$0xFFFFFFF0]  }
0x2d: {  	s18 =	sshra.s32 s31, $0x2;
	v0 =	vld [tilespmem:s21+$0x0]  }
0x2e: {  	s18 =	sadd.s32 s18, s16;
	v2 =	vld [tilespmem:s21+$0xFFFFFFE0]  }
0x2f: {  	s19 =	sadd.s32 $0x0, s18  }
0x30: {  	p1 =	por p2, p2;
	s20 =	simm.s32 $0x4;
	s21 =	sadd.s32 $0x40, s21;
	[tilespmem:s19+$0x1830 ss:$0x81] =	vst.msk $0xffff, v3  }
.LBB1_4:
0x31: {  	v3 =	vld [tilespmem:s21+$0x10];
	p2 =	sne.s32 s20, $0x1FC;
	[tilespmem:s19+$0x810 ss:$0x81] =	vst.msk $0xffff, v1;
	s22 =	smov.u32 s20;
	s20 =	sadd.s32 $0x4, s20  }
.Ltmp3:
0x32: {  	v1 =	vld [tilespmem:s21+$0xFFFFFFF0];
	[tilespmem:s19+$0x1020 ss:$0x81] =	vst.msk $0xffff, v0;
	(pc) =	sbr.rel @p2 .LBB1_4-.Ltmp3, $4  }
0x33: {  	v0 =	vld [tilespmem:s21+$0x0];
	[tilespmem:s19+$0x0 ss:$0x81] =	vst.msk $0xffff, v2  }
0x34: {  	s19 =	sshra.s32 s22, $0x2;
	v2 =	vld [tilespmem:s21+$0xFFFFFFE0]  }
0x35: {  	s19 =	sadd.s32 s19, s18  }
0x36: {  	s21 =	sadd.s32 $0x40, s21;
	[tilespmem:s19+$0x1830 ss:$0x81] =	vst.msk $0xffff, v3  }
.Ltmp4:
0x37: {  	(pc) =	sbr.rel @p1 .LBB1_3-.Ltmp4, $4  }
0x38: {  	_ = 	snop  }
0x39: {  	[tilespmem:s19+$0x810 ss:$0x81] =	vst.msk $0xffff, v1  }
0x3a: {  	[tilespmem:s19+$0x1020 ss:$0x81] =	vst.msk $0xffff, v0  }
0x3b: {  	s18 =	simm.s32 $0x1;
	p2 =	por $0x0, $0x0;
	[tilespmem:s19+$0x0 ss:$0x81] =	vst.msk $0xffff, v2  }
.Ltmp5:
0x3c: {  	s16 =	sand.u32 $0x1F80, s13;
	s14 =	sshll.u32 s14, $0xD;
	(pc) =	sbr.rel .LBB1_7-.Ltmp5, $4  }
0x3d: {  	s17 =	sshrl.u32 s13, $0x3;
	s31 =	sand.u32 $0x7, s13;
	s14 =	sadd.s32 s3, s14  }
0x3e: {  	s17 =	sand.u32 $0xF, s17;
	s13 =	sshll.u32 s31, $0x12;
	s14 =	sadd.s32 s16, s14  }
0x3f: {  	s13 =	sor.u32 $0x400, s13;
	s14 =	sadd.s32 s17, s14  }
0x40: {  	[hbm4b:s14+s13] =	stream.strided.scatter [tilespmem:s15], [sflag:$0x2], $0x4000, s9, s13, $0x20;
	[tilespmem:$0x10100] =	vst v63  }
.LBB1_8:
0x41: {  	_ =	sfence.sel $0x180000  }
0x42: {  	s2 =	simm.s32 $0x1;
	[bflag:$0x0] =	sbarrier.arrive $0xFFFF  }
0x43: {  	s31 =	simm.s32 $0x2;
	[sflag:s2] =	ssyncpa.u1 $0x1  }
0x44: {  	[sflag:s31] =	ssyncpa.u1 $0x1  }
0x45: {  	p0 =	sne.s32 s0, $0x0;
	_ =	strace $0x9000004A  }
0x46: {  	s0 =	sadd.s32 @!p0 $0x100000, s1;
	[bflag:$0x2] =	sbarrier.arrive $0xFFFF  }
0x47: {  	[sflag:s0] =	ssyncadd.tile.s32 @!p0 $0x1;
	_ =	shalt  }
.Lfunc_end1:
_tile_overlayer_lowered:
.L_overlay_start_2:
0x48: {  	(tag) =	ssettag $0x2  }
0x49: {  	s0 =	rddreg [dreg:$0x0];
	s2 =	stileid.u32  }
0x4a: {  	s1 =	rddreg [dreg:$0x1];
	p0 =	sne.s32 s2, $0x0  }
0x4b: {  	s3 =	rddreg [dreg:$0x2];
	[bflag:$0x3] =	sbarrier.arrive $0xFFFF;
	s2 =	simm.s32 @!p0 $0x1C01  }
0x4c: {  	[timem:s3], [sflag:s2] =	dma.local @!p0 [hbm:s0], s1  }
0x4d: {  	s0 =	simm.s32 @!p0 $0x1  }
0x4e: {  	_ =	swait.ge @!p0 [sflag:s0], s1  }
0x4f: {  	s1 =	ssub.s32 @!p0 $0x0, s1;
	[sflag:s0] =	ssyncset.done @!p0 $0x0  }
0x50: {  	[sflag:s0] =	ssyncadd.s32 @!p0 s1  }
0x51: {  	[bflag:$0x3] =	sbarrier.arrive $0xFFFF  }
0x52: {  	_ =	shalt  }

</sc_bundles>
